<compile_context>
chip_gen: v7x
topology: tpu7x:2x2x1
jax: 0.10.2.dev20260603
libtpu: 0.0.44.dev20260713+nightly
codegen_flags: <defaults>
</compile_context>

<pallas_src>
import functools

import jax
import jax.numpy as jnp
from jax import lax
from jax.experimental import pallas as pl
from jax.experimental.pallas import tpu as pltpu
from jax.experimental.pallas import tpu_sc as plsc

_NS1 = 17
_B, _L, _D = 4096, 200, 64
_BL = _B * _L

_NC, _NSUB = 2, 16
_NW = _NC * _NSUB
_CHUNK = _BL // _NW

_KS1 = 42
_KS2 = 42 ^ 0x1BD11BDA
_R1 = (13, 15, 26, 6)
_R2 = (17, 29, 16, 24)

_Q = (1.717153855847334e-06, 8.895356981760094e-05, 0.0016275906203618575,
      0.00874971574873464, -0.2268891676002655, 1.253377167895753)

_LO = -0.9999999403953552


def _u32(x):
    return jnp.uint32(x)


def _round(x0, x1, r):
    x0 = x0 + x1
    x1 = (lax.shift_left(x1, _u32(r)) | lax.shift_right_logical(x1, _u32(32 - r))) ^ x0
    return x0, x1


def _threefry_0_42(cnt):
    x1i = cnt + _u32(_KS1)
    x0 = x1i
    x1 = (lax.shift_left(x1i, _u32(13)) | lax.shift_right_logical(x1i, _u32(19))) ^ x0
    for r in _R1[1:]:
        x0, x1 = _round(x0, x1, r)
    x0 = x0 + _u32(_KS1)
    x1 = x1 + _u32((_KS2 + 1) & 0xFFFFFFFF)
    for r in _R2:
        x0, x1 = _round(x0, x1, r)
    x0 = x0 + _u32(_KS2)
    x1 = x1 + _u32(2)
    for r in _R1:
        x0, x1 = _round(x0, x1, r)
    x1 = x1 + _u32((_KS1 + 3) & 0xFFFFFFFF)
    for r in _R2:
        x0, x1 = _round(x0, x1, r)
    x0 = x0 + _u32(_KS1)
    x1 = x1 + _u32((_KS2 + 4) & 0xFFFFFFFF)
    for r in _R1:
        x0, x1 = _round(x0, x1, r)
    x0 = x0 + _u32(_KS2)
    x1 = x1 + _u32(5)
    return x0 ^ x1


def _tc_noise_body(sel_ref, out_ref, *, bk):
    i = pl.program_id(0)
    base = i * bk
    r = lax.broadcasted_iota(jnp.int32, (bk, 4096), 0)
    b = lax.broadcasted_iota(jnp.int32, (bk, 4096), 1)
    cnt = (b * 12800 + (base + r)).astype(jnp.uint32)
    bits = _threefry_0_42(cnt)
    fb = lax.shift_right_logical(bits, _u32(9)) | _u32(0x3F800000)
    f = lax.bitcast_convert_type(fb, jnp.float32) - jnp.float32(1.0)
    lo = jnp.float32(_LO)
    u = f * (jnp.float32(1.0) - lo) + lo
    t = jnp.log2((jnp.float32(1.0) - u) * (jnp.float32(1.0) + u))
    q = jnp.float32(_Q[0])
    for cc in _Q[1:]:
        q = q * t + jnp.float32(cc)
    sig = jnp.where(r < 64, sel_ref[0, 0:1, :], sel_ref[0, 1:2, :])
    out_ref[...] = q * u * sig


def _sc_gather_body(idx_hbm, sig_hbm, out_hbm, i_v, o_v, sem):
    wid = lax.axis_index("s") * _NC + lax.axis_index("c")
    base = wid * _CHUNK
    pltpu.sync_copy(idx_hbm.at[pl.ds(base, _CHUNK)], i_v)
    pltpu.async_copy(sig_hbm.at[i_v], o_v, sem).wait()
    pltpu.sync_copy(o_v, out_hbm.at[pl.ds(base, _CHUNK)])


def _make_sc_gather():
    return functools.partial(
        pl.kernel,
        out_type=jax.ShapeDtypeStruct((_BL,), jnp.float32),
        mesh=plsc.VectorSubcoreMesh(
            core_axis_name="c", subcore_axis_name="s",
            num_cores=_NC, num_subcores=_NSUB,
        ),
        scratch_types=[
            pltpu.VMEM((_CHUNK,), jnp.int32),
            pltpu.VMEM((_CHUNK,), jnp.float32),
            pltpu.SemaphoreType.DMA,
        ],
    )(_sc_gather_body)


def kernel(concepts, indices, embeddings, sigmas):
    del embeddings
    flat_idx = (indices.T * 100000 + concepts.T).reshape(_BL)
    selected = _make_sc_gather()(flat_idx, sigmas.T.reshape(-1))

    bk = 128
    out = pl.pallas_call(
        functools.partial(_tc_noise_body, bk=bk),
        grid=(_L * _D // bk,),
        in_specs=[pl.BlockSpec((1, 2, 4096), lambda i: (i, 0, 0))],
        out_specs=pl.BlockSpec((bk, 4096), lambda i: (i, 0)),
        out_shape=jax.ShapeDtypeStruct((_L * _D, _B), jnp.float32),
        compiler_params=pltpu.CompilerParams(
            dimension_semantics=("parallel",),
        ),
    )(selected.reshape(_L // 2, 2, _B))
    return out.reshape(_L, _D, _B).transpose(2, 0, 1)

# --- scband reference (transcript-rebuilt; emitter-appended) ---
"""Pipeline reference for scband-gaussian-noise-48550310314052 (READ-ONLY COPY).

The authoritative reference and input builder live on the scoring server;
editing this copy changes nothing except your own understanding.
"""

import jax, jax.numpy as jnp
import numpy as np

NUM_CONCEPTS = 100000
NUM_STRATA = 16  # 2 * (80 - 40) // 5
B, L, D = 4096, 200, 64


def setup_inputs(seed: int = 0) -> dict:
    key = jax.random.key(seed)
    k1, k2, k3 = jax.random.split(key, 3)
    concepts = jax.random.randint(k1, (B, L), 0, NUM_CONCEPTS, dtype=jnp.int64 if jax.config.jax_enable_x64 else jnp.int32).astype(jnp.int32)
    indices = jax.random.randint(k2, (B, L), 0, NUM_STRATA + 1, dtype=jnp.int32)
    embeddings = jax.random.normal(k3, (B, L, D), dtype=jnp.float32)
    sigmas = jnp.ones((NUM_CONCEPTS, NUM_STRATA + 1), dtype=jnp.float32)
    return {"concepts": concepts, "indices": indices, "embeddings": embeddings, "sigmas": sigmas}


def reference(concepts, indices, embeddings, sigmas):
    # simulate_noise: selected_sigmas = sigmas[concept, stratum_index] broadcast over embed dim
    extended_indices = indices[..., None]          # [B, L, 1]
    extended_concepts = concepts[..., None]        # [B, L, 1]
    selected_sigmas = sigmas[extended_concepts, extended_indices]  # [B, L, 1] gather
    # torch.randn_like(embeddings) -> fixed-key normal of same shape/dtype
    std_normal_noise = jax.random.normal(jax.random.key(42), embeddings.shape, dtype=embeddings.dtype)
    scaled_noise = std_normal_noise * selected_sigmas
    return scaled_noise

if __name__ == "__main__":
    import jax
    _d = setup_inputs()
    print(jax.jit(kernel)(*tuple(_d.values())))

</pallas_src>

<mosaic_0001>
#map = affine_map<(d0, d1) -> (0)>
module attributes {stable_mosaic.version = 14 : i64} {
  func.func @_sc_gather_body(%arg0: i32, %arg1: i32, %arg2: memref<819200xi32, #tpu.memory_space<hbm>>, %arg3: memref<1700000xf32, #tpu.memory_space<hbm>>, %arg4: memref<819200xf32, #tpu.memory_space<hbm>>, %arg5: memref<25600xi32, #tpu.memory_space<vmem>>, %arg6: memref<25600xf32, #tpu.memory_space<vmem>>, %arg7: memref<!tpu.dma_semaphore, #tpu.memory_space<semaphore_mem>>) attributes {dimension_semantics = [#tpu.dimension_semantics<core_parallel>, #tpu.dimension_semantics<subcore_parallel>], iteration_bounds = array<i64: 2, 16>, scalar_prefetch = 0 : i64, scratch_operands = 3 : i64, tpu.core_type = #tpu.core_type<sc_vector_subcore>, window_params = [{transform_indices = #map}, {transform_indices = #map}, {transform_indices = #map}]} {
    %mul3A = arith.constant 2 : i32
    %mul3A_0 = arith.muli %arg1, %mul3A : i32
    %add3A = arith.addi %mul3A_0, %arg0 : i32
    %mul3A_1 = arith.constant 25600 : i32
    %mul3A_2 = arith.muli %add3A, %mul3A_1 : i32
    "tpu.region"() ({
      %run_scoped3A = tpu.sem_alloc : memref<!tpu.dma_semaphore, #tpu.memory_space<semaphore_mem>>
      %dma_start3A_5 = tpu.memref_slice %arg2[%mul3A_2] : memref<819200xi32, #tpu.memory_space<hbm>> -> memref<25600xi32, #tpu.memory_space<hbm>>
      %dma_start3A_6 = tpu.memref_slice %arg2[%mul3A_2] : memref<819200xi32, #tpu.memory_space<hbm>> -> memref<25600xi32, #tpu.memory_space<hbm>>
      tpu.enqueue_dma source(%dma_start3A_6 : memref<25600xi32, #tpu.memory_space<hbm>>) target(%arg5 : memref<25600xi32, #tpu.memory_space<vmem>>) target_semaphore(%run_scoped3A : memref<!tpu.dma_semaphore, #tpu.memory_space<semaphore_mem>>)
      %dma_wait3A_7 = tpu.memref_slice %arg2[%mul3A_2] : memref<819200xi32, #tpu.memory_space<hbm>> -> memref<25600xi32, #tpu.memory_space<hbm>>
      %dma_wait3A_8 = tpu.memref_slice %arg2[%mul3A_2] : memref<819200xi32, #tpu.memory_space<hbm>> -> memref<25600xi32, #tpu.memory_space<hbm>>
      tpu.wait_dma2 semaphore(%run_scoped3A : memref<!tpu.dma_semaphore, #tpu.memory_space<semaphore_mem>>) src(%dma_wait3A_8 : memref<25600xi32, #tpu.memory_space<hbm>>) dst(%arg5 : memref<25600xi32, #tpu.memory_space<vmem>>)
      tpu.yield
    }) : () -> ()
    %dma_start3A = arith.constant 0 : i32
    %dma_start3A_3 = tpu.memref_slice %arg3[%dma_start3A] : memref<1700000xf32, #tpu.memory_space<hbm>> -> memref<1700000xf32, #tpu.memory_space<hbm>>
    tpu.enqueue_indirect_dma source(%dma_start3A_3 : memref<1700000xf32, #tpu.memory_space<hbm>>) target(%arg6 : memref<25600xf32, #tpu.memory_space<vmem>>) offsets(%arg5 : memref<25600xi32, #tpu.memory_space<vmem>>) semaphore(%arg7 : memref<!tpu.dma_semaphore, #tpu.memory_space<semaphore_mem>>)
    %dma_wait3A = arith.constant 0 : i32
    %dma_wait3A_4 = tpu.memref_slice %arg3[%dma_wait3A] : memref<1700000xf32, #tpu.memory_space<hbm>> -> memref<1700000xf32, #tpu.memory_space<hbm>>
    tpu.wait_indirect_dma semaphore(%arg7 : memref<!tpu.dma_semaphore, #tpu.memory_space<semaphore_mem>>) src(%dma_wait3A_4 : memref<1700000xf32, #tpu.memory_space<hbm>>) dst(%arg6 : memref<25600xf32, #tpu.memory_space<vmem>>)
    "tpu.region"() ({
      %run_scoped3A = tpu.sem_alloc : memref<!tpu.dma_semaphore, #tpu.memory_space<semaphore_mem>>
      %dma_start3A_5 = tpu.memref_slice %arg4[%mul3A_2] : memref<819200xf32, #tpu.memory_space<hbm>> -> memref<25600xf32, #tpu.memory_space<hbm>>
      %dma_start3A_6 = tpu.memref_slice %arg4[%mul3A_2] : memref<819200xf32, #tpu.memory_space<hbm>> -> memref<25600xf32, #tpu.memory_space<hbm>>
      tpu.enqueue_dma source(%arg6 : memref<25600xf32, #tpu.memory_space<vmem>>) target(%dma_start3A_6 : memref<25600xf32, #tpu.memory_space<hbm>>) target_semaphore(%run_scoped3A : memref<!tpu.dma_semaphore, #tpu.memory_space<semaphore_mem>>)
      %dma_wait3A_7 = tpu.memref_slice %arg4[%mul3A_2] : memref<819200xf32, #tpu.memory_space<hbm>> -> memref<25600xf32, #tpu.memory_space<hbm>>
      %dma_wait3A_8 = tpu.memref_slice %arg4[%mul3A_2] : memref<819200xf32, #tpu.memory_space<hbm>> -> memref<25600xf32, #tpu.memory_space<hbm>>
      tpu.wait_dma2 semaphore(%run_scoped3A : memref<!tpu.dma_semaphore, #tpu.memory_space<semaphore_mem>>) src(%arg6 : memref<25600xf32, #tpu.memory_space<vmem>>) dst(%dma_wait3A_8 : memref<25600xf32, #tpu.memory_space<hbm>>)
      tpu.yield
    }) : () -> ()
    return
  }
}

module attributes {stable_mosaic.version = 14 : i64} {
  func.func @_tc_noise_body(%arg0: i32, %arg1: memref<1x2x4096xf32, #tpu.memory_space<vmem>>, %arg2: memref<128x4096xf32, #tpu.memory_space<vmem>>) attributes {dimension_semantics = [#tpu.dimension_semantics<parallel>], iteration_bounds = array<i64: 100>, scalar_prefetch = 0 : i64, scratch_operands = 0 : i64, tpu.core_type = #tpu.core_type<tc>, window_params = [{transform_indices = @transform_0, window_bounds = array<i64: 1, 2, 4096>}, {transform_indices = @transform_1, window_bounds = array<i64: 128, 4096>}]} {
    %mul3A = arith.constant 128 : i32
    %mul3A_0 = arith.muli %arg0, %mul3A : i32
    %iota3A = tpu.iota {dimensions = array<i32: 0>} : vector<128x4096xi32>
    %iota3A_1 = tpu.iota {dimensions = array<i32: 1>} : vector<128x4096xi32>
    %mul3A_2 = arith.constant 12800 : i32
    %mul3A_3 = vector.broadcast %mul3A_2 : i32 to vector<128x4096xi32>
    %mul3A_4 = arith.muli %iota3A_1, %mul3A_3 : vector<128x4096xi32>
    %add3A = vector.broadcast %mul3A_0 : i32 to vector<128x4096xi32>
    %add3A_5 = arith.addi %add3A, %iota3A : vector<128x4096xi32>
    %add3A_6 = arith.addi %mul3A_4, %add3A_5 : vector<128x4096xi32>
    %add3A_7 = arith.constant 42 : i32
    %add3A_8 = vector.broadcast %add3A_7 : i32 to vector<128x4096xi32>
    %add3A_9 = arith.addi %add3A_6, %add3A_8 : vector<128x4096xi32>
    %shift_left3A = arith.constant 13 : i32
    %shift_left3A_10 = vector.broadcast %shift_left3A : i32 to vector<128x4096xi32>
    %shift_left3A_11 = arith.shli %add3A_9, %shift_left3A_10 : vector<128x4096xi32>
    %shift_right_logical3A = arith.constant 19 : i32
    %shift_right_logical3A_12 = vector.broadcast %shift_right_logical3A : i32 to vector<128x4096xi32>
    %shift_right_logical3A_13 = arith.shrui %add3A_9, %shift_right_logical3A_12 : vector<128x4096xi32>
    %or3A = arith.ori %shift_left3A_11, %shift_right_logical3A_13 : vector<128x4096xi32>
    %xor3A = arith.xori %or3A, %add3A_9 : vector<128x4096xi32>
    %add3A_14 = arith.addi %add3A_9, %xor3A : vector<128x4096xi32>
    %shift_left3A_15 = arith.constant 15 : i32
    %shift_left3A_16 = vector.broadcast %shift_left3A_15 : i32 to vector<128x4096xi32>
    %shift_left3A_17 = arith.shli %xor3A, %shift_left3A_16 : vector<128x4096xi32>
    %shift_right_logical3A_18 = arith.constant 17 : i32
    %shift_right_logical3A_19 = vector.broadcast %shift_right_logical3A_18 : i32 to vector<128x4096xi32>
    %shift_right_logical3A_20 = arith.shrui %xor3A, %shift_right_logical3A_19 : vector<128x4096xi32>
    %or3A_21 = arith.ori %shift_left3A_17, %shift_right_logical3A_20 : vector<128x4096xi32>
    %xor3A_22 = arith.xori %or3A_21, %add3A_14 : vector<128x4096xi32>
    %add3A_23 = arith.addi %add3A_14, %xor3A_22 : vector<128x4096xi32>
    %shift_left3A_24 = arith.constant 26 : i32
    %shift_left3A_25 = vector.broadcast %shift_left3A_24 : i32 to vector<128x4096xi32>
    %shift_left3A_26 = arith.shli %xor3A_22, %shift_left3A_25 : vector<128x4096xi32>
    %shift_right_logical3A_27 = arith.constant 6 : i32
    %shift_right_logical3A_28 = vector.broadcast %shift_right_logical3A_27 : i32 to vector<128x4096xi32>
    %shift_right_logical3A_29 = arith.shrui %xor3A_22, %shift_right_logical3A_28 : vector<128x4096xi32>
    %or3A_30 = arith.ori %shift_left3A_26, %shift_right_logical3A_29 : vector<128x4096xi32>
    %xor3A_31 = arith.xori %or3A_30, %add3A_23 : vector<128x4096xi32>
    %add3A_32 = arith.addi %add3A_23, %xor3A_31 : vector<128x4096xi32>
    %shift_left3A_33 = arith.constant 6 : i32
    %shift_left3A_34 = vector.broadcast %shift_left3A_33 : i32 to vector<128x4096xi32>
    %shift_left3A_35 = arith.shli %xor3A_31, %shift_left3A_34 : vector<128x4096xi32>
    %shift_right_logical3A_36 = arith.constant 26 : i32
    %shift_right_logical3A_37 = vector.broadcast %shift_right_logical3A_36 : i32 to vector<128x4096xi32>
    %shift_right_logical3A_38 = arith.shrui %xor3A_31, %shift_right_logical3A_37 : vector<128x4096xi32>
    %or3A_39 = arith.ori %shift_left3A_35, %shift_right_logical3A_38 : vector<128x4096xi32>
    %xor3A_40 = arith.xori %or3A_39, %add3A_32 : vector<128x4096xi32>
    %add3A_41 = arith.constant 42 : i32
    %add3A_42 = vector.broadcast %add3A_41 : i32 to vector<128x4096xi32>
    %add3A_43 = arith.addi %add3A_32, %add3A_42 : vector<128x4096xi32>
    %add3A_44 = arith.constant 466689009 : i32
    %add3A_45 = vector.broadcast %add3A_44 : i32 to vector<128x4096xi32>
    %add3A_46 = arith.addi %xor3A_40, %add3A_45 : vector<128x4096xi32>
    %add3A_47 = arith.addi %add3A_43, %add3A_46 : vector<128x4096xi32>
    %shift_left3A_48 = arith.constant 17 : i32
    %shift_left3A_49 = vector.broadcast %shift_left3A_48 : i32 to vector<128x4096xi32>
    %shift_left3A_50 = arith.shli %add3A_46, %shift_left3A_49 : vector<128x4096xi32>
    %shift_right_logical3A_51 = arith.constant 15 : i32
    %shift_right_logical3A_52 = vector.broadcast %shift_right_logical3A_51 : i32 to vector<128x4096xi32>
    %shift_right_logical3A_53 = arith.shrui %add3A_46, %shift_right_logical3A_52 : vector<128x4096xi32>
    %or3A_54 = arith.ori %shift_left3A_50, %shift_right_logical3A_53 : vector<128x4096xi32>
    %xor3A_55 = arith.xori %or3A_54, %add3A_47 : vector<128x4096xi32>
    %add3A_56 = arith.addi %add3A_47, %xor3A_55 : vector<128x4096xi32>
    %shift_left3A_57 = arith.constant 29 : i32
    %shift_left3A_58 = vector.broadcast %shift_left3A_57 : i32 to vector<128x4096xi32>
    %shift_left3A_59 = arith.shli %xor3A_55, %shift_left3A_58 : vector<128x4096xi32>
    %shift_right_logical3A_60 = arith.constant 3 : i32
    %shift_right_logical3A_61 = vector.broadcast %shift_right_logical3A_60 : i32 to vector<128x4096xi32>
    %shift_right_logical3A_62 = arith.shrui %xor3A_55, %shift_right_logical3A_61 : vector<128x4096xi32>
    %or3A_63 = arith.ori %shift_left3A_59, %shift_right_logical3A_62 : vector<128x4096xi32>
    %xor3A_64 = arith.xori %or3A_63, %add3A_56 : vector<128x4096xi32>
    %add3A_65 = arith.addi %add3A_56, %xor3A_64 : vector<128x4096xi32>
    %shift_left3A_66 = arith.constant 16 : i32
    %shift_left3A_67 = vector.broadcast %shift_left3A_66 : i32 to vector<128x4096xi32>
    %shift_left3A_68 = arith.shli %xor3A_64, %shift_left3A_67 : vector<128x4096xi32>
    %shift_right_logical3A_69 = arith.constant 16 : i32
    %shift_right_logical3A_70 = vector.broadcast %shift_right_logical3A_69 : i32 to vector<128x4096xi32>
    %shift_right_logical3A_71 = arith.shrui %xor3A_64, %shift_right_logical3A_70 : vector<128x4096xi32>
    %or3A_72 = arith.ori %shift_left3A_68, %shift_right_logical3A_71 : vector<128x4096xi32>
    %xor3A_73 = arith.xori %or3A_72, %add3A_65 : vector<128x4096xi32>
    %add3A_74 = arith.addi %add3A_65, %xor3A_73 : vector<128x4096xi32>
    %shift_left3A_75 = arith.constant 24 : i32
    %shift_left3A_76 = vector.broadcast %shift_left3A_75 : i32 to vector<128x4096xi32>
    %shift_left3A_77 = arith.shli %xor3A_73, %shift_left3A_76 : vector<128x4096xi32>
    %shift_right_logical3A_78 = arith.constant 8 : i32
    %shift_right_logical3A_79 = vector.broadcast %shift_right_logical3A_78 : i32 to vector<128x4096xi32>
    %shift_right_logical3A_80 = arith.shrui %xor3A_73, %shift_right_logical3A_79 : vector<128x4096xi32>
    %or3A_81 = arith.ori %shift_left3A_77, %shift_right_logical3A_80 : vector<128x4096xi32>
    %xor3A_82 = arith.xori %or3A_81, %add3A_74 : vector<128x4096xi32>
    %add3A_83 = arith.constant 466689008 : i32
    %add3A_84 = vector.broadcast %add3A_83 : i32 to vector<128x4096xi32>
    %add3A_85 = arith.addi %add3A_74, %add3A_84 : vector<128x4096xi32>
    %add3A_86 = arith.constant 2 : i32
    %add3A_87 = vector.broadcast %add3A_86 : i32 to vector<128x4096xi32>
    %add3A_88 = arith.addi %xor3A_82, %add3A_87 : vector<128x4096xi32>
    %add3A_89 = arith.addi %add3A_85, %add3A_88 : vector<128x4096xi32>
    %shift_left3A_90 = arith.constant 13 : i32
    %shift_left3A_91 = vector.broadcast %shift_left3A_90 : i32 to vector<128x4096xi32>
    %shift_left3A_92 = arith.shli %add3A_88, %shift_left3A_91 : vector<128x4096xi32>
    %shift_right_logical3A_93 = arith.constant 19 : i32
    %shift_right_logical3A_94 = vector.broadcast %shift_right_logical3A_93 : i32 to vector<128x4096xi32>
    %shift_right_logical3A_95 = arith.shrui %add3A_88, %shift_right_logical3A_94 : vector<128x4096xi32>
    %or3A_96 = arith.ori %shift_left3A_92, %shift_right_logical3A_95 : vector<128x4096xi32>
    %xor3A_97 = arith.xori %or3A_96, %add3A_89 : vector<128x4096xi32>
    %add3A_98 = arith.addi %add3A_89, %xor3A_97 : vector<128x4096xi32>
    %shift_left3A_99 = arith.constant 15 : i32
    %shift_left3A_100 = vector.broadcast %shift_left3A_99 : i32 to vector<128x4096xi32>
    %shift_left3A_101 = arith.shli %xor3A_97, %shift_left3A_100 : vector<128x4096xi32>
    %shift_right_logical3A_102 = arith.constant 17 : i32
    %shift_right_logical3A_103 = vector.broadcast %shift_right_logical3A_102 : i32 to vector<128x4096xi32>
    %shift_right_logical3A_104 = arith.shrui %xor3A_97, %shift_right_logical3A_103 : vector<128x4096xi32>
    %or3A_105 = arith.ori %shift_left3A_101, %shift_right_logical3A_104 : vector<128x4096xi32>
    %xor3A_106 = arith.xori %or3A_105, %add3A_98 : vector<128x4096xi32>
    %add3A_107 = arith.addi %add3A_98, %xor3A_106 : vector<128x4096xi32>
    %shift_left3A_108 = arith.constant 26 : i32
    %shift_left3A_109 = vector.broadcast %shift_left3A_108 : i32 to vector<128x4096xi32>
    %shift_left3A_110 = arith.shli %xor3A_106, %shift_left3A_109 : vector<128x4096xi32>
    %shift_right_logical3A_111 = arith.constant 6 : i32
    %shift_right_logical3A_112 = vector.broadcast %shift_right_logical3A_111 : i32 to vector<128x4096xi32>
    %shift_right_logical3A_113 = arith.shrui %xor3A_106, %shift_right_logical3A_112 : vector<128x4096xi32>
    %or3A_114 = arith.ori %shift_left3A_110, %shift_right_logical3A_113 : vector<128x4096xi32>
    %xor3A_115 = arith.xori %or3A_114, %add3A_107 : vector<128x4096xi32>
    %add3A_116 = arith.addi %add3A_107, %xor3A_115 : vector<128x4096xi32>
    %shift_left3A_117 = arith.constant 6 : i32
    %shift_left3A_118 = vector.broadcast %shift_left3A_117 : i32 to vector<128x4096xi32>
    %shift_left3A_119 = arith.shli %xor3A_115, %shift_left3A_118 : vector<128x4096xi32>
    %shift_right_logical3A_120 = arith.constant 26 : i32
    %shift_right_logical3A_121 = vector.broadcast %shift_right_logical3A_120 : i32 to vector<128x4096xi32>
    %shift_right_logical3A_122 = arith.shrui %xor3A_115, %shift_right_logical3A_121 : vector<128x4096xi32>
    %or3A_123 = arith.ori %shift_left3A_119, %shift_right_logical3A_122 : vector<128x4096xi32>
    %xor3A_124 = arith.xori %or3A_123, %add3A_116 : vector<128x4096xi32>
    %add3A_125 = arith.constant 45 : i32
    %add3A_126 = vector.broadcast %add3A_125 : i32 to vector<128x4096xi32>
    %add3A_127 = arith.addi %xor3A_124, %add3A_126 : vector<128x4096xi32>
    %add3A_128 = arith.addi %add3A_116, %add3A_127 : vector<128x4096xi32>
    %shift_left3A_129 = arith.constant 17 : i32
    %shift_left3A_130 = vector.broadcast %shift_left3A_129 : i32 to vector<128x4096xi32>
    %shift_left3A_131 = arith.shli %add3A_127, %shift_left3A_130 : vector<128x4096xi32>
    %shift_right_logical3A_132 = arith.constant 15 : i32
    %shift_right_logical3A_133 = vector.broadcast %shift_right_logical3A_132 : i32 to vector<128x4096xi32>
    %shift_right_logical3A_134 = arith.shrui %add3A_127, %shift_right_logical3A_133 : vector<128x4096xi32>
    %or3A_135 = arith.ori %shift_left3A_131, %shift_right_logical3A_134 : vector<128x4096xi32>
    %xor3A_136 = arith.xori %or3A_135, %add3A_128 : vector<128x4096xi32>
    %add3A_137 = arith.addi %add3A_128, %xor3A_136 : vector<128x4096xi32>
    %shift_left3A_138 = arith.constant 29 : i32
    %shift_left3A_139 = vector.broadcast %shift_left3A_138 : i32 to vector<128x4096xi32>
    %shift_left3A_140 = arith.shli %xor3A_136, %shift_left3A_139 : vector<128x4096xi32>
    %shift_right_logical3A_141 = arith.constant 3 : i32
    %shift_right_logical3A_142 = vector.broadcast %shift_right_logical3A_141 : i32 to vector<128x4096xi32>
    %shift_right_logical3A_143 = arith.shrui %xor3A_136, %shift_right_logical3A_142 : vector<128x4096xi32>
    %or3A_144 = arith.ori %shift_left3A_140, %shift_right_logical3A_143 : vector<128x4096xi32>
    %xor3A_145 = arith.xori %or3A_144, %add3A_137 : vector<128x4096xi32>
    %add3A_146 = arith.addi %add3A_137, %xor3A_145 : vector<128x4096xi32>
    %shift_left3A_147 = arith.constant 16 : i32
    %shift_left3A_148 = vector.broadcast %shift_left3A_147 : i32 to vector<128x4096xi32>
    %shift_left3A_149 = arith.shli %xor3A_145, %shift_left3A_148 : vector<128x4096xi32>
    %shift_right_logical3A_150 = arith.constant 16 : i32
    %shift_right_logical3A_151 = vector.broadcast %shift_right_logical3A_150 : i32 to vector<128x4096xi32>
    %shift_right_logical3A_152 = arith.shrui %xor3A_145, %shift_right_logical3A_151 : vector<128x4096xi32>
    %or3A_153 = arith.ori %shift_left3A_149, %shift_right_logical3A_152 : vector<128x4096xi32>
    %xor3A_154 = arith.xori %or3A_153, %add3A_146 : vector<128x4096xi32>
    %add3A_155 = arith.addi %add3A_146, %xor3A_154 : vector<128x4096xi32>
    %shift_left3A_156 = arith.constant 24 : i32
    %shift_left3A_157 = vector.broadcast %shift_left3A_156 : i32 to vector<128x4096xi32>
    %shift_left3A_158 = arith.shli %xor3A_154, %shift_left3A_157 : vector<128x4096xi32>
    %shift_right_logical3A_159 = arith.constant 8 : i32
    %shift_right_logical3A_160 = vector.broadcast %shift_right_logical3A_159 : i32 to vector<128x4096xi32>
    %shift_right_logical3A_161 = arith.shrui %xor3A_154, %shift_right_logical3A_160 : vector<128x4096xi32>
    %or3A_162 = arith.ori %shift_left3A_158, %shift_right_logical3A_161 : vector<128x4096xi32>
    %xor3A_163 = arith.xori %or3A_162, %add3A_155 : vector<128x4096xi32>
    %add3A_164 = arith.constant 42 : i32
    %add3A_165 = vector.broadcast %add3A_164 : i32 to vector<128x4096xi32>
    %add3A_166 = arith.addi %add3A_155, %add3A_165 : vector<128x4096xi32>
    %add3A_167 = arith.constant 466689012 : i32
    %add3A_168 = vector.broadcast %add3A_167 : i32 to vector<128x4096xi32>
    %add3A_169 = arith.addi %xor3A_163, %add3A_168 : vector<128x4096xi32>
    %add3A_170 = arith.addi %add3A_166, %add3A_169 : vector<128x4096xi32>
    %shift_left3A_171 = arith.constant 13 : i32
    %shift_left3A_172 = vector.broadcast %shift_left3A_171 : i32 to vector<128x4096xi32>
    %shift_left3A_173 = arith.shli %add3A_169, %shift_left3A_172 : vector<128x4096xi32>
    %shift_right_logical3A_174 = arith.constant 19 : i32
    %shift_right_logical3A_175 = vector.broadcast %shift_right_logical3A_174 : i32 to vector<128x4096xi32>
    %shift_right_logical3A_176 = arith.shrui %add3A_169, %shift_right_logical3A_175 : vector<128x4096xi32>
    %or3A_177 = arith.ori %shift_left3A_173, %shift_right_logical3A_176 : vector<128x4096xi32>
    %xor3A_178 = arith.xori %or3A_177, %add3A_170 : vector<128x4096xi32>
    %add3A_179 = arith.addi %add3A_170, %xor3A_178 : vector<128x4096xi32>
    %shift_left3A_180 = arith.constant 15 : i32
    %shift_left3A_181 = vector.broadcast %shift_left3A_180 : i32 to vector<128x4096xi32>
    %shift_left3A_182 = arith.shli %xor3A_178, %shift_left3A_181 : vector<128x4096xi32>
    %shift_right_logical3A_183 = arith.constant 17 : i32
    %shift_right_logical3A_184 = vector.broadcast %shift_right_logical3A_183 : i32 to vector<128x4096xi32>
    %shift_right_logical3A_185 = arith.shrui %xor3A_178, %shift_right_logical3A_184 : vector<128x4096xi32>
    %or3A_186 = arith.ori %shift_left3A_182, %shift_right_logical3A_185 : vector<128x4096xi32>
    %xor3A_187 = arith.xori %or3A_186, %add3A_179 : vector<128x4096xi32>
    %add3A_188 = arith.addi %add3A_179, %xor3A_187 : vector<128x4096xi32>
    %shift_left3A_189 = arith.constant 26 : i32
    %shift_left3A_190 = vector.broadcast %shift_left3A_189 : i32 to vector<128x4096xi32>
    %shift_left3A_191 = arith.shli %xor3A_187, %shift_left3A_190 : vector<128x4096xi32>
    %shift_right_logical3A_192 = arith.constant 6 : i32
    %shift_right_logical3A_193 = vector.broadcast %shift_right_logical3A_192 : i32 to vector<128x4096xi32>
    %shift_right_logical3A_194 = arith.shrui %xor3A_187, %shift_right_logical3A_193 : vector<128x4096xi32>
    %or3A_195 = arith.ori %shift_left3A_191, %shift_right_logical3A_194 : vector<128x4096xi32>
    %xor3A_196 = arith.xori %or3A_195, %add3A_188 : vector<128x4096xi32>
    %add3A_197 = arith.addi %add3A_188, %xor3A_196 : vector<128x4096xi32>
    %shift_left3A_198 = arith.constant 6 : i32
    %shift_left3A_199 = vector.broadcast %shift_left3A_198 : i32 to vector<128x4096xi32>
    %shift_left3A_200 = arith.shli %xor3A_196, %shift_left3A_199 : vector<128x4096xi32>
    %shift_right_logical3A_201 = arith.constant 26 : i32
    %shift_right_logical3A_202 = vector.broadcast %shift_right_logical3A_201 : i32 to vector<128x4096xi32>
    %shift_right_logical3A_203 = arith.shrui %xor3A_196, %shift_right_logical3A_202 : vector<128x4096xi32>
    %or3A_204 = arith.ori %shift_left3A_200, %shift_right_logical3A_203 : vector<128x4096xi32>
    %xor3A_205 = arith.xori %or3A_204, %add3A_197 : vector<128x4096xi32>
    %add3A_206 = arith.constant 466689008 : i32
    %add3A_207 = vector.broadcast %add3A_206 : i32 to vector<128x4096xi32>
    %add3A_208 = arith.addi %add3A_197, %add3A_207 : vector<128x4096xi32>
    %add3A_209 = arith.constant 5 : i32
    %add3A_210 = vector.broadcast %add3A_209 : i32 to vector<128x4096xi32>
    %add3A_211 = arith.addi %xor3A_205, %add3A_210 : vector<128x4096xi32>
    %xor3A_212 = arith.xori %add3A_208, %add3A_211 : vector<128x4096xi32>
    %shift_right_logical3A_213 = arith.constant 9 : i32
    %shift_right_logical3A_214 = vector.broadcast %shift_right_logical3A_213 : i32 to vector<128x4096xi32>
    %shift_right_logical3A_215 = arith.shrui %xor3A_212, %shift_right_logical3A_214 : vector<128x4096xi32>
    %or3A_216 = arith.constant 1065353216 : i32
    %or3A_217 = vector.broadcast %or3A_216 : i32 to vector<128x4096xi32>
    %or3A_218 = arith.ori %shift_right_logical3A_215, %or3A_217 : vector<128x4096xi32>
    %bitcast_convert_type3A = tpu.bitcast %or3A_218 : vector<128x4096xi32> -> vector<128x4096xf32>
    %sub3A = arith.constant 1.000000e+00 : f32
    %sub3A_219 = vector.broadcast %sub3A : f32 to vector<128x4096xf32>
    %sub3A_220 = arith.subf %bitcast_convert_type3A, %sub3A_219 : vector<128x4096xf32>
    %sub3A_221 = arith.constant 1.000000e+00 : f32
    %sub3A_222 = arith.constant -0.99999994 : f32
    %sub3A_223 = arith.subf %sub3A_221, %sub3A_222 : f32
    %mul3A_224 = vector.broadcast %sub3A_223 : f32 to vector<128x4096xf32>
    %mul3A_225 = arith.mulf %sub3A_220, %mul3A_224 : vector<128x4096xf32>
    %add3A_226 = arith.constant -0.99999994 : f32
    %add3A_227 = vector.broadcast %add3A_226 : f32 to vector<128x4096xf32>
    %add3A_228 = arith.addf %mul3A_225, %add3A_227 : vector<128x4096xf32>
    %sub3A_229 = arith.constant 1.000000e+00 : f32
    %sub3A_230 = vector.broadcast %sub3A_229 : f32 to vector<128x4096xf32>
    %sub3A_231 = arith.subf %sub3A_230, %add3A_228 : vector<128x4096xf32>
    %add3A_232 = arith.constant 1.000000e+00 : f32
    %add3A_233 = vector.broadcast %add3A_232 : f32 to vector<128x4096xf32>
    %add3A_234 = arith.addf %add3A_233, %add3A_228 : vector<128x4096xf32>
    %mul3A_235 = arith.mulf %sub3A_231, %add3A_234 : vector<128x4096xf32>
    %log3A = math.log %mul3A_235 : vector<128x4096xf32>
    %log3A_236 = arith.constant 2.000000e+00 : f32
    %log3A_237 = math.log %log3A_236 : f32
    %div3A = vector.broadcast %log3A_237 : f32 to vector<128x4096xf32>
    %div3A_238 = arith.divf %log3A, %div3A : vector<128x4096xf32>
    %mul3A_239 = arith.constant 1.71715385E-6 : f32
    %mul3A_240 = vector.broadcast %mul3A_239 : f32 to vector<128x4096xf32>
    %mul3A_241 = arith.mulf %mul3A_240, %div3A_238 : vector<128x4096xf32>
    %add3A_242 = arith.constant 8.89535731E-5 : f32
    %add3A_243 = vector.broadcast %add3A_242 : f32 to vector<128x4096xf32>
    %add3A_244 = arith.addf %mul3A_241, %add3A_243 : vector<128x4096xf32>
    %mul3A_245 = arith.mulf %add3A_244, %div3A_238 : vector<128x4096xf32>
    %add3A_246 = arith.constant 0.00162759062 : f32
    %add3A_247 = vector.broadcast %add3A_246 : f32 to vector<128x4096xf32>
    %add3A_248 = arith.addf %mul3A_245, %add3A_247 : vector<128x4096xf32>
    %mul3A_249 = arith.mulf %add3A_248, %div3A_238 : vector<128x4096xf32>
    %add3A_250 = arith.constant 0.00874971598 : f32
    %add3A_251 = vector.broadcast %add3A_250 : f32 to vector<128x4096xf32>
    %add3A_252 = arith.addf %mul3A_249, %add3A_251 : vector<128x4096xf32>
    %mul3A_253 = arith.mulf %add3A_252, %div3A_238 : vector<128x4096xf32>
    %add3A_254 = arith.constant -0.226889163 : f32
    %add3A_255 = vector.broadcast %add3A_254 : f32 to vector<128x4096xf32>
    %add3A_256 = arith.addf %mul3A_253, %add3A_255 : vector<128x4096xf32>
    %mul3A_257 = arith.mulf %add3A_256, %div3A_238 : vector<128x4096xf32>
    %add3A_258 = arith.constant 1.2533772 : f32
    %add3A_259 = vector.broadcast %add3A_258 : f32 to vector<128x4096xf32>
    %add3A_260 = arith.addf %mul3A_257, %add3A_259 : vector<128x4096xf32>
    %lt3A = arith.constant 64 : i32
    %lt3A_261 = vector.broadcast %lt3A : i32 to vector<128x4096xi32>
    %lt3A_262 = arith.cmpi slt, %iota3A, %lt3A_261 : vector<128x4096xi32>
    %get3A = arith.constant 0 : index
    %get3A_263 = arith.constant 0 : index
    %get3A_264 = arith.constant 0 : index
    %get3A_265 = vector.load %arg1[%get3A, %get3A_263, %get3A_264] : memref<1x2x4096xf32, #tpu.memory_space<vmem>>, vector<1x1x4096xf32>
    %get3A_266 = vector.shape_cast %get3A_265 : vector<1x1x4096xf32> to vector<1x4096xf32>
    %get3A_267 = arith.constant 0 : index
    %get3A_268 = arith.constant 1 : index
    %get3A_269 = arith.constant 0 : index
    %get3A_270 = vector.load %arg1[%get3A_267, %get3A_268, %get3A_269] : memref<1x2x4096xf32, #tpu.memory_space<vmem>>, vector<1x1x4096xf32>
    %get3A_271 = vector.shape_cast %get3A_270 : vector<1x1x4096xf32> to vector<1x4096xf32>
    %broadcast_in_dim3A = vector.shape_cast %get3A_266 : vector<1x4096xf32> to vector<1x4096xf32>
    %broadcast_in_dim3A_272 = vector.broadcast %broadcast_in_dim3A : vector<1x4096xf32> to vector<128x4096xf32>
    %broadcast_in_dim3A_273 = vector.shape_cast %get3A_271 : vector<1x4096xf32> to vector<1x4096xf32>
    %broadcast_in_dim3A_274 = vector.broadcast %broadcast_in_dim3A_273 : vector<1x4096xf32> to vector<128x4096xf32>
    %select_n3A = arith.select %lt3A_262, %broadcast_in_dim3A_272, %broadcast_in_dim3A_274 : vector<128x4096xi1>, vector<128x4096xf32>
    %mul3A_275 = arith.mulf %add3A_260, %add3A_228 : vector<128x4096xf32>
    %mul3A_276 = arith.mulf %mul3A_275, %select_n3A : vector<128x4096xf32>
    %swap3A = arith.constant 0 : index
    %swap3A_277 = arith.constant 0 : index
    %swap3A_278 = vector.load %arg2[%swap3A, %swap3A_277] : memref<128x4096xf32, #tpu.memory_space<vmem>>, vector<128x4096xf32>
    tpu.vector_store %arg2[%swap3A, %swap3A_277], %mul3A_276 {strides = array<i32>} : memref<128x4096xf32, #tpu.memory_space<vmem>>, vector<128x4096xf32>,
    return
  }
  func.func @transform_0(%arg0: i32) -> (i32, i32, i32) {
    %c0_i32 = arith.constant 0 : i32
    %c0_i32_0 = arith.constant 0 : i32
    %c0_i32_1 = arith.constant 0 : i32
    return %arg0, %c0_i32, %c0_i32_0 : i32, i32, i32
  }
  func.func @transform_1(%arg0: i32) -> (i32, i32) {
    %c0_i32 = arith.constant 0 : i32
    %c0_i32_0 = arith.constant 0 : i32
    return %arg0, %c0_i32 : i32, i32
  }
}

</mosaic_0001>

<sc_bundles>
// kernel: kernel.4.cloned.1.call-start
scs
__scs_entry_jumppad:
0x0: {  	(pc) =	sbr.rel $0x88, $3  }
0x1: {  	(tag) =	ssettag $0x0;
	lr =	simm.s32 $0x1  }
0x2: {  	[smem:$0x3F9E] =	sst lr;
	_ =	strace $0xD0000000  }
0x3: {  	_ = 	snop  }
0x4: {  	_ = 	snop  }
0x5: {  	_ = 	snop  }
0x6: {  	_ = 	snop  }
0x7: {  	_ = 	snop  }
__scs_overlays_trampoline_lowered:
0x8: {  	[smem:$0x3FAD] =	sst s0  }
0x9: {  	[smem:$0x3FAE] =	sst s1  }
0xa: {  	[smem:$0x3FAF] =	sst s2  }
0xb: {  	[smem:$0x3FB0] =	sst s3  }
0xc: {  	[smem:$0x3FB1] =	sst s4  }
0xd: {  	[smem:$0x3FB2] =	sst s5  }
0xe: {  	[smem:$0x3FB3] =	sst s6  }
0xf: {  	[smem:$0x3FB4] =	sst s7  }
0x10: {  	[smem:$0x3FB5] =	sst s8  }
0x11: {  	[smem:$0x3FB6] =	sst s9;
	s0 =	simm.s32 @!p0 $0x0  }
0x12: {  	s1 =	sld [smem:$0x3F9C];
	s0 =	simm.s32 @p0 $0x1  }
0x13: {  	[smem:$0x3FB7] =	sst s0;
	s0 =	simm.s32 @!p1 $0x0  }
0x14: {  	s2 =	sld [smem:$0x3F9B];
	s0 =	simm.s32 @p1 $0x1  }
0x15: {  	[smem:$0x3FB8] =	sst s0;
	s0 =	simm.s32 @!p2 $0x0  }
0x16: {  	s3 =	sld [smem:$0x3FDB];
	s0 =	simm.s32 @p2 $0x1  }
0x17: {  	s4 =	simm.s32 $0x1BF5;
	[smem:$0x3FBA] =	sst s0  }
0x18: {  	s0 =	sld [smem:$0x3F9D];
	_ =	swait.ge [sflag:s4], $0x0  }
0x19: {  	s7 =	sld [smem:$0x3F9E]  }
0x1a: {  	s8 =	sadd.s32 $0xFFFFE003, lr  }
0x1b: {  	s9 =	sadd.s32 $0xFFFFFEF7, lr;
	s5 =	simm.s32 $0xFFFFFFFF;
	p2 =	slt.u32 s8, $0xFFFFF086  }
0x1c: {  	p1 =	slt.u32 s9, $0xF7A;
	s5 =	simm.s32 @!p2 $0x0  }
0x1d: {  	s5 =	simm.s32 @p1 $0x1;
	p0 =	seq.s32 s7, s2  }
0x1e: {  	s7 =	smul.u32 @!p0 $0xF7A, s2;
	p2 =	seq.s32 @!p0 s5, $0x0  }
0x1f: {  	s9 =	smul.u32 $0xF7A, s1;
	s8 =	simm.s32 @!p0 $0x1BF5;
	p2 =	por !p2, p0  }
0x20: {  	[sflag:s8] =	ssyncset.s32 @!p0 $0xFFFFF086;
	s6 =	sadd.s32 @!p0 s3, s7;
	s7 =	simm.s32 @!p0 $0x108  }
0x21: {  	s3 =	sadd.s32 s3, s9;
	s6 =	sadd.s32 @!p0 $0x88, s6;
	s7 =	simm.s32 @p2 $0x1082  }
0x22: {  	[simem:s7], [sflag:s8] =	dma.local @!p0 [hbm:s6], $0xF7A  }
0x23: {  	s9 =	sor.u32 $0xD0000000, s2;
	s6 =	simm.s32 $0x108;
	_ =	swait.ge @!p0 [sflag:s8], $0x0  }
0x24: {  	s3 =	sadd.s32 $0x88, s3;
	s6 =	simm.s32 @!p1 $0x1082;
	[sflag:s4] =	ssyncset.s32 $0xFFFFF086  }
0x25: {  	[simem:s6], [sflag:s4] =	dma.local [hbm:s3], $0xF7A  }
0x26: {  	[smem:$0x3F9E] =	sst s1;
	(tag) =	ssettag s2;
	_ =	strace s9  }
0x27: {  	s1 =	sld [smem:$0x3FAE]  }
0x28: {  	s2 =	sld [smem:$0x3FAF]  }
0x29: {  	s4 =	sld [smem:$0x3FB1]  }
0x2a: {  	p0 =	seq.s32 s5, $0x0;
	s5 =	sld [smem:$0x3FB2]  }
0x2b: {  	s6 =	sld [smem:$0x3FB3]  }
0x2c: {  	s7 =	sld [smem:$0x3FB4]  }
0x2d: {  	s3 =	simm.s32 $0x108;
	s8 =	sld [smem:$0x3FB5]  }
0x2e: {  	s3 =	simm.s32 @!p0 $0x1082;
	s9 =	sld [smem:$0x3FB6]  }
0x2f: {  	lr =	sadd.s32 s0, s3;
	s0 =	sld [smem:$0x3FAD]  }
0x30: {  	s3 =	sld [smem:$0x3FB0]  }
0x31: {  	[smem:$0x3FB9] =	sst s10  }
0x32: {  	s10 =	sld [smem:$0x3FB7];
	_ =	sdelay $0x3  }
0x33: {  	p0 =	seq.s32 s10, $0x1;
	s10 =	sld [smem:$0x3FB9];
	_ =	sdelay $0x3  }
0x34: {  	[smem:$0x3FB9] =	sst s10  }
0x35: {  	s10 =	sld [smem:$0x3FB8];
	_ =	sdelay $0x3  }
0x36: {  	p1 =	seq.s32 s10, $0x1;
	s10 =	sld [smem:$0x3FB9];
	_ =	sdelay $0x3  }
0x37: {  	[smem:$0x3FB9] =	sst s10  }
0x38: {  	s10 =	sld [smem:$0x3FBA]  }
0x39: {  	_ = 	snop;
	(pc) =	sbr.ind lr, $3  }
0x3a: {  	_ = 	snop  }
0x3b: {  	_ = 	snop  }
0x3c: {  	p2 =	seq.s32 s10, $0x1;
	s10 =	sld [smem:$0x3FB9]  }
0x3d: {  	_ =	shalt  }
0x3e: {  	_ =	shalt  }
0x3f: {  	_ =	shalt  }
0x40: {  	_ =	shalt  }
0x41: {  	_ =	shalt  }
0x42: {  	_ =	shalt  }
0x43: {  	_ =	shalt  }
0x44: {  	_ =	shalt  }
0x45: {  	_ =	shalt  }
0x46: {  	_ =	shalt  }
0x47: {  	_ =	shalt  }
0x48: {  	_ =	shalt  }
0x49: {  	_ =	shalt  }
0x4a: {  	_ =	shalt  }
0x4b: {  	_ =	shalt  }
0x4c: {  	_ =	shalt  }
0x4d: {  	_ =	shalt  }
0x4e: {  	_ =	shalt  }
0x4f: {  	_ =	shalt  }
0x50: {  	_ =	shalt  }
0x51: {  	_ =	shalt  }
0x52: {  	_ =	shalt  }
0x53: {  	_ =	shalt  }
0x54: {  	_ =	shalt  }
0x55: {  	_ =	shalt  }
0x56: {  	_ =	shalt  }
0x57: {  	_ =	shalt  }
0x58: {  	_ =	shalt  }
0x59: {  	_ =	shalt  }
0x5a: {  	_ =	shalt  }
0x5b: {  	_ =	shalt  }
0x5c: {  	_ =	shalt  }
0x5d: {  	_ =	shalt  }
0x5e: {  	_ =	shalt  }
0x5f: {  	_ =	shalt  }
0x60: {  	_ =	shalt  }
0x61: {  	_ =	shalt  }
0x62: {  	_ =	shalt  }
0x63: {  	_ =	shalt  }
0x64: {  	_ =	shalt  }
0x65: {  	_ =	shalt  }
0x66: {  	_ =	shalt  }
0x67: {  	_ =	shalt  }
0x68: {  	_ =	shalt  }
0x69: {  	_ =	shalt  }
0x6a: {  	_ =	shalt  }
0x6b: {  	_ =	shalt  }
0x6c: {  	_ =	shalt  }
0x6d: {  	_ =	shalt  }
0x6e: {  	_ =	shalt  }
0x6f: {  	_ =	shalt  }
0x70: {  	_ =	shalt  }
0x71: {  	_ =	shalt  }
0x72: {  	_ =	shalt  }
0x73: {  	_ =	shalt  }
0x74: {  	_ =	shalt  }
0x75: {  	_ =	shalt  }
0x76: {  	_ =	shalt  }
0x77: {  	_ =	shalt  }
0x78: {  	_ =	shalt  }
0x79: {  	_ =	shalt  }
0x7a: {  	_ =	shalt  }
0x7b: {  	_ =	shalt  }
0x7c: {  	_ =	shalt  }
0x7d: {  	_ =	shalt  }
0x7e: {  	_ =	shalt  }
0x7f: {  	_ =	shalt  }
0x80: {  	_ =	shalt  }
0x81: {  	_ =	shalt  }
0x82: {  	_ =	shalt  }
0x83: {  	_ =	shalt  }
0x84: {  	_ =	shalt  }
0x85: {  	_ =	shalt  }
0x86: {  	_ =	shalt  }
0x87: {  	_ =	shalt  }
.Lfunc_end0:
.L_simem_size_0:
called_computation_lowered:
.L_overlay_start_0:
0x88: {  	s2 =	sld [smem:$0x3FD9]  }
0x89: {  	s3 =	sld [smem:$0x3FFE];
	_ =	sdelay $0x1  }
0x8a: {  	s1 =	srdreg.scid  }
0x8b: {  	s0 =	sand.u32 $0x1, s1  }
0x8c: {  	s17 =	sshll.u32 s0, $0xA;
	s2 =	sadd.s32 s3, s2  }
0x8d: {  	s2 =	sadd.s32 s2, s17  }
0x8e: {  	[smem:$0x3FC5] =	sst s2  }
0x8f: {  	_ = 	snop  }
0x90: {  	s2 =	sld [smem:$0x3FD0];
	(tm) =	ssettm $0x1  }
0x91: {  	s18 =	sld [smem:$0x3FFB];
	_ =	sdelay $0x3  }
0x92: {  	_ =	strace s18  }
0x93: {  	s3 =	sld [smem:$0x3FFC];
	_ =	sdelay $0x3  }
0x94: {  	_ =	strace s3  }
0x95: {  	s3 =	sld [smem:$0x3FFD];
	_ =	sdelay $0x3  }
0x96: {  	_ =	strace s3  }
0x97: {  	_ =	strace $0x8FFFFFFF  }
0x98: {  	s19 =	sld [smem:$0x3FDB];
	_ =	sdelay $0x1  }
0x99: {  	s4 =	simm.s32 $_scs_section_size  }
0x9a: {  	s5 =	simm.s32 $_size__tile_overlayer_lowered;
	s6 =	simm.s32 $_tile_overlayer_lowered  }
0x9b: {  	s22 =	simm.s32 $0x1BFF;
	s21 =	sshll.u32 s6, $0x1;
	s3 =	sadd.s32 s4, s19  }
0x9c: {  	s7 =	simm.s32 $0x0;
	s20 =	sshll.u32 s5, $0x1;
	s5 =	sadd.s32 s21, s3  }
0x9d: {  	[timem:s7], [sflag:s22] =	dma.local [hbm:s5], s20  }
0x9e: {  	_ =	swait.ge [sflag:s22], s20  }
0x9f: {  	s4 =	ssub.s32 $0x0, s20;
	[sflag:s22] =	ssyncset.done $0x0  }
0xa0: {  	[sflag:s22] =	ssyncadd.s32 s4;
	_ =	sdelay $0x1  }
0xa1: {  	s23 =	simm.s32 $0x1B8B  }
0xa2: {  	_ =	swait.ge [sflag:s23], $0x1  }
0xa3: {  	[sflag:s23] =	ssyncset.done $0x0  }
0xa4: {  	s25 =	simm.s32 $0x1B8E;
	s24 =	sld [smem:$0x3FFE];
	[sflag:s23] =	ssyncadd.s32 $0xFFFFFFFF  }
0xa5: {  	s26 =	simm.s32 $execute0_lowered;
	[smem:$0x3FD2] =	sst s25  }
0xa6: {  	s5 =	sshll.u32 s26, $0x1;
	_ =	strace $0x80000046;
	[dreg:$0x1] =	wrdreg $0xFFFFFFFF  }
0xa7: {  	s28 =	simm.s32 $_size_execute0_lowered;
	s3 =	sadd.s32 s3, s5;
	[dreg:$0x0] =	wrdreg $0x0  }
0xa8: {  	s5 =	sshll.u32 s28, $0x1;
	[dreg:$0x2] =	wrdreg s3  }
0xa9: {  	[dreg:$0x3] =	wrdreg s5  }
0xaa: {  	[dreg:$0x4] =	wrdreg $0xC0  }
0xab: {  	_ =	task [dreg:s7], $0x5FFFF  }
0xac: {  	[dreg:$0x1] =	wrdreg $0xFFFFFFFF  }
0xad: {  	[dreg:$0x0] =	wrdreg $0x60  }
0xae: {  	[dreg:$0x2] =	wrdreg s24  }
0xaf: {  	[dreg:$0x3] =	wrdreg s2  }
0xb0: {  	[dreg:$0x4] =	wrdreg $0x9  }
0xb1: {  	_ =	task.clear_ibuf [dreg:s7], $0x5FFFF;
	_ =	strace $0x90000046  }
0xb2: {  	s29 =	simm.s32 $0x9;
	_ =	strace $0x80000048  }
0xb3: {  	_ =	swait.ge [sflag:s29], $0x1  }
0xb4: {  	[sflag:s29] =	ssyncadd.s32 $0xFFFFFFFF  }
0xb5: {  	_ =	strace $0x90000048  }
0xb6: {  	_ =	sfence  }
0xb7: {  	s30 =	sld [smem:$0x0];
	_ =	sdelay $0x2  }
0xb8: {  	s31 =	sshll.u32 s1, $0xD;
	s1 =	sshrl.u32 s1, $0x2  }
0xb9: {  	s3 =	sand.u32 $0x4000, s31;
	s1 =	sadd.s32 s1, s30  }
0xba: {  	s0 =	sor.u32 s3, s0;
	s1 =	sshll.u32 s1, $0x11  }
0xbb: {  	s0 =	sor.u32 s1, s0  }
0xbc: {  	s0 =	sadd.s32 $0x8F2B, s0  }
0xbd: {  	[sflag:s0] =	ssyncadd.remote.s32 $0x1  }
0xbe: {  	_ =	sfence.sel $0xFFFF  }
0xbf: {  	[dreg:$0x0] =	wrdreg $0xFFFFFFFF;
	(pc) =	sbr.abs _section_cstart, $3  }
0xc0: {  	[dreg:$0x1] =	wrdreg $0xFFFFFFFF  }
0xc1: {  	_ =	task.clear_ibuf [dreg:s7], $0x2FFFF;
	_ =	strace $0x9FFFFFFF  }
0xc2: {  	(tm) =	ssettm $0x7FFFFFFF  }
0xc3: {  	_ =	shalt  }
tec
execute0_lowered:
.L_overlay_start_1:
0x0: {  	(tag) =	ssettag $0x1  }
0x1: {  	s1 =	srdreg.scid;
	s0 =	stileid.u32  }
0x2: {  	s6 =	sand.u32 $0x1, s1;
	s31 =	sshll.u32 s0, $0x1  }
0x3: {  	s4 =	rddreg [dreg:$0x0];
	s1 =	sor.u32 s6, s31  }
0x4: {  	s2 =	rddreg [dreg:$0x1];
	s3 =	simm.s32 $0x0;
	s5 =	smul.u32 $0xC80, s1  }
0x5: {  	[smem:$0x7FF] =	sst s3  }
0x6: {  	s9 =	ssub.s32 $0x2, s6;
	s1 =	rddreg [dreg:$0x2];
	s8 =	sadd.s32 s5, s4  }
0x7: {  	_ =	strace $0x80000047;
	s4 =	simm.s32 $0x2;
	s5 =	sadd.s32 $0x600, s8  }
0x8: {  	[tilespmem:s3], [sflag:$0x2] =	stream.linear.gather [hbm4b:s5+s3], $0x6400, $0x38;
	[tilespmem:$0xC800] =	vst v63  }
0x9: {  	s10 =	sshrl.u32 s9, $0x1;
	_ =	swait.ge [sflag:s4], $0x6400  }
0xa: {  	s7 =	simm.s32 $0x1;
	s9 =	ssub.s32 s9, s10;
	[sflag:s4] =	ssyncset.done $0x0  }
0xb: {  	s6 =	simm.s32 $0x6400;
	s9 =	smax.u32 s9, $0x1;
	[sflag:s4] =	ssyncadd.s32 $0xFFFF9C00  }
0xc: {  	[tilespmem:s6], [sflag:$0x1] =	stream.indirect.gather [hbm4b:s2+s6], $0x1, s3, s6, $0xb8;
	[tilespmem:$0xC800] =	vst v63  }
0xd: {  	p0 =	sne.s32 s9, $0x1;
	_ =	swait.ge [sflag:s7], $0x6400  }
.Ltmp0:
0xe: {  	[sflag:s7] =	ssyncset.done $0x0;
	(pc) =	sbr.rel @!p0 .LBB2_2-.Ltmp0, $4  }
0xf: {  	s8 =	sadd.s32 $0x19600, s8;
	[sflag:s7] =	ssyncadd.s32 $0xFFFF9C00  }
0x10: {  	[hbm4b:s8+s3] =	stream.linear.scatter [tilespmem:s6], [sflag:$0x2], $0x6400, $0x38;
	[tilespmem:$0xC800] =	vst v63  }
0x11: {  	_ =	swait.ge [sflag:s4], $0x6400  }
0x12: {  	s9 =	sadd.s32 $0xFFFFFFFF, s9;
	[sflag:s4] =	ssyncset.done $0x0  }
.LBB2_1:
0x13: {  	p0 =	sne.s32 s9, $0x1;
	s9 =	sadd.s32 $0xFFFFFFFF, s9;
	[sflag:s4] =	ssyncadd.s32 $0xFFFF9C00  }
0x14: {  	[tilespmem:s3], [sflag:$0x2] =	stream.linear.gather [hbm4b:s5+s3], $0x6400, $0x38;
	[tilespmem:$0xC800] =	vst v63  }
0x15: {  	_ =	swait.ge [sflag:s4], $0x6400  }
0x16: {  	[sflag:s4] =	ssyncset.done $0x0  }
0x17: {  	[sflag:s4] =	ssyncadd.s32 $0xFFFF9C00  }
0x18: {  	[tilespmem:s6], [sflag:$0x1] =	stream.indirect.gather [hbm4b:s2+s6], $0x1, s3, s6, $0xb8;
	[tilespmem:$0xC800] =	vst v63  }
0x19: {  	_ =	swait.ge [sflag:s7], $0x6400  }
.Ltmp1:
0x1a: {  	[sflag:s7] =	ssyncset.done $0x0;
	(pc) =	sbr.rel @p0 .LBB2_1-.Ltmp1, $4  }
0x1b: {  	[sflag:s7] =	ssyncadd.s32 $0xFFFF9C00  }
0x1c: {  	[hbm4b:s8+s3] =	stream.linear.scatter [tilespmem:s6], [sflag:$0x2], $0x6400, $0x38;
	[tilespmem:$0xC800] =	vst v63  }
0x1d: {  	_ =	swait.ge [sflag:s4], $0x6400  }
0x1e: {  	[sflag:s4] =	ssyncset.done $0x0  }
.LBB2_2:
0x1f: {  	[sflag:s4] =	ssyncadd.s32 $0xFFFF9C00  }
0x20: {  	_ =	sfence.sel $0x180000  }
0x21: {  	[bflag:$0x0] =	sbarrier.arrive $0xFFFF  }
0x22: {  	p0 =	sne.s32 s0, $0x0;
	_ =	strace $0x90000047  }
0x23: {  	s0 =	sadd.s32 @!p0 $0x100000, s1;
	[bflag:$0x2] =	sbarrier.arrive $0xFFFF  }
0x24: {  	[sflag:s0] =	ssyncadd.tile.s32 @!p0 $0x1;
	_ =	shalt  }
.Lfunc_end2:
_tile_overlayer_lowered:
.L_overlay_start_2:
0x25: {  	(tag) =	ssettag $0x2  }
0x26: {  	s0 =	rddreg [dreg:$0x0];
	s2 =	stileid.u32  }
0x27: {  	s1 =	rddreg [dreg:$0x1];
	p0 =	sne.s32 s2, $0x0  }
0x28: {  	s3 =	rddreg [dreg:$0x2];
	[bflag:$0x3] =	sbarrier.arrive $0xFFFF;
	s2 =	simm.s32 @!p0 $0x1C02  }
0x29: {  	[timem:s3], [sflag:s2] =	dma.local @!p0 [hbm:s0], s1  }
0x2a: {  	s0 =	simm.s32 @!p0 $0x2  }
0x2b: {  	_ =	swait.ge @!p0 [sflag:s0], s1  }
0x2c: {  	s1 =	ssub.s32 @!p0 $0x0, s1;
	[sflag:s0] =	ssyncset.done @!p0 $0x0  }
0x2d: {  	[sflag:s0] =	ssyncadd.s32 @!p0 s1  }
0x2e: {  	[bflag:$0x3] =	sbarrier.arrive $0xFFFF  }
0x2f: {  	_ =	shalt  }

</sc_bundles>
